<compile_context>
chip_gen: v7x
topology: tpu7x:2x2x1
jax: 0.10.2.dev20260603
libtpu: 0.0.44.dev20260713+nightly
codegen_flags: <defaults>
</compile_context>

<pallas_src>
import functools

import jax
import jax.numpy as jnp
from jax import lax
from jax.experimental import pallas as pl
from jax.experimental.pallas import tpu as pltpu
from jax.experimental.pallas import tpu_sc as plsc

BATCH = 16384
N_CLS = 1000000
N_OUT = 4
NW = 32
BPW = BATCH // NW
L = 16

_mesh = plsc.VectorSubcoreMesh(core_axis_name="c", subcore_axis_name="s")


@functools.partial(
    pl.kernel,
    mesh=_mesh,
    out_type=jax.ShapeDtypeStruct((BATCH, 8), jnp.float32),
    compiler_params=pltpu.CompilerParams(
        needs_layout_passes=False, use_tc_tiling_on_sc=False),
    scratch_types=[
        pltpu.VMEM((BPW,), jnp.int32),
        pltpu.VMEM((BPW,), jnp.int32),
        pltpu.VMEM((BPW,), jnp.int32),
        pltpu.VMEM((BPW,), jnp.int32),
        pltpu.VMEM((BPW,), jnp.float32),
        pltpu.VMEM((BPW,), jnp.float32),
        pltpu.VMEM((BPW,), jnp.float32),
        pltpu.VMEM((BPW,), jnp.float32),
        pltpu.VMEM((BPW, 8), jnp.float32),
        pltpu.SemaphoreType.DMA,
        pltpu.SemaphoreType.DMA,
        pltpu.SemaphoreType.DMA,
        pltpu.SemaphoreType.DMA,
    ],
)
def _nnlm_sc(x0_hbm, x1_hbm, c01_hbm, out_hbm,
             i0_v, i1_v, j0_v, j1_v, a_v, b_v, c_v, d_v, out_v,
             sem_a, sem_b, sem_c, sem_d):
    wid = lax.axis_index("s") * 2 + lax.axis_index("c")
    base = wid * BPW

    pltpu.sync_copy(x0_hbm.at[pl.ds(base, BPW)], i0_v)
    pltpu.sync_copy(x1_hbm.at[pl.ds(base, BPW)], i1_v)

    def shift(i, carry):
        sl = pl.ds(i * L, L)
        j0_v[sl] = i0_v[sl] + N_CLS
        j1_v[sl] = i1_v[sl] + N_CLS
        return carry

    lax.fori_loop(0, BPW // L, shift, 0)

    cp_a = pltpu.async_copy(c01_hbm.at[i0_v], a_v, sem_a)
    cp_b = pltpu.async_copy(c01_hbm.at[j0_v], b_v, sem_b)
    cp_c = pltpu.async_copy(c01_hbm.at[i1_v], c_v, sem_c)
    cp_d = pltpu.async_copy(c01_hbm.at[j1_v], d_v, sem_d)
    cp_a.wait()
    cp_b.wait()
    cp_c.wait()
    cp_d.wait()

    lanes = lax.iota(jnp.int32, L)
    zeros = jnp.zeros((L,), jnp.int32)
    ones = zeros + 1

    def ftanh_exp(v):
        return jnp.exp(1.0 - 2.0 / (jnp.exp(2.0 * v) + 1.0))

    def step(i, carry):
        sl = pl.ds(i * L, L)
        rows = i * L + lanes
        ea = ftanh_exp(a_v[sl])
        eb = ftanh_exp(b_v[sl])
        ec = ftanh_exp(c_v[sl])
        ed = ftanh_exp(d_v[sl])
        r = 1.0 / ((ea + eb) + (ec + ed))
        plsc.store_scatter(out_v, [rows, zeros], ea * r)
        plsc.store_scatter(out_v, [rows, ones], eb * r)
        plsc.store_scatter(out_v, [rows, zeros + 2], ec * r)
        plsc.store_scatter(out_v, [rows, zeros + 3], ed * r)
        return carry

    lax.fori_loop(0, BPW // L, step, 0)
    pltpu.sync_copy(out_v, out_hbm.at[pl.ds(base, BPW)])


def kernel(x, C):
    c01 = jnp.ravel(C.T)
    return _nnlm_sc(x[:, 0], x[:, 1], c01)[:, :N_OUT]

# --- scband reference (transcript-rebuilt; emitter-appended) ---
"""Pipeline reference for scband-nnlm-24970939859630 (READ-ONLY COPY).

The authoritative reference and input builder live on the scoring server;
editing this copy changes nothing except your own understanding.
"""

import jax, jax.numpy as jnp
import numpy as np

N_CLASS = 1000000
M = 2
N_STEP = 2
BATCH = 16384


def setup_inputs(seed: int = 0) -> dict:
    key = jax.random.key(seed)
    k1, k2 = jax.random.split(key)
    x = jax.random.randint(k1, (BATCH, N_STEP), 0, N_CLASS, dtype=jnp.int32)
    C = jax.random.normal(k2, (N_CLASS, M), dtype=jnp.float32)
    return {"x": x, "C": C}


def reference(x, C):
    # x: [batch, n_step] int -> embedding lookup
    emb = jnp.take(C, x, axis=0)              # [batch, n_step, m]
    h = emb.reshape(-1, N_STEP * M)           # [batch, n_step*m]
    t = jnp.tanh(h)
    # torch F.softmax with implicit dim resolves to dim=1 for 2D input
    out = jax.nn.softmax(t, axis=1)
    return out

if __name__ == "__main__":
    import jax
    _d = setup_inputs()
    print(jax.jit(kernel)(*tuple(_d.values())))

</pallas_src>

<mosaic_0001>
#map = affine_map<(d0, d1) -> (0)>
#map1 = affine_map<(d0, d1) -> (0, 0)>
module attributes {stable_mosaic.version = 14 : i64} {
  func.func @_nnlm_sc(%arg0: i32, %arg1: i32, %arg2: memref<16384xi32, #tpu.memory_space<hbm>>, %arg3: memref<16384xi32, #tpu.memory_space<hbm>>, %arg4: memref<2000000xf32, #tpu.memory_space<hbm>>, %arg5: memref<16384x8xf32, #tpu.memory_space<hbm>>, %arg6: memref<512xi32, #tpu.memory_space<vmem>>, %arg7: memref<512xi32, #tpu.memory_space<vmem>>, %arg8: memref<512xi32, #tpu.memory_space<vmem>>, %arg9: memref<512xi32, #tpu.memory_space<vmem>>, %arg10: memref<512xf32, #tpu.memory_space<vmem>>, %arg11: memref<512xf32, #tpu.memory_space<vmem>>, %arg12: memref<512xf32, #tpu.memory_space<vmem>>, %arg13: memref<512xf32, #tpu.memory_space<vmem>>, %arg14: memref<512x8xf32, #tpu.memory_space<vmem>>, %arg15: memref<!tpu.dma_semaphore, #tpu.memory_space<semaphore_mem>>, %arg16: memref<!tpu.dma_semaphore, #tpu.memory_space<semaphore_mem>>, %arg17: memref<!tpu.dma_semaphore, #tpu.memory_space<semaphore_mem>>, %arg18: memref<!tpu.dma_semaphore, #tpu.memory_space<semaphore_mem>>) attributes {dimension_semantics = [#tpu.dimension_semantics<core_parallel>, #tpu.dimension_semantics<subcore_parallel>], iteration_bounds = array<i64: 2, 16>, scalar_prefetch = 0 : i64, scratch_operands = 13 : i64, tpu.core_type = #tpu.core_type<sc_vector_subcore>, window_params = [{transform_indices = #map}, {transform_indices = #map}, {transform_indices = #map}, {transform_indices = #map1}]} {
    %mul3A = arith.constant 2 : i32
    %mul3A_0 = arith.muli %arg1, %mul3A : i32
    %add3A = arith.addi %mul3A_0, %arg0 : i32
    %mul3A_1 = arith.constant 512 : i32
    %mul3A_2 = arith.muli %add3A, %mul3A_1 : i32
    "tpu.region"() ({
      %run_scoped3A = tpu.sem_alloc : memref<!tpu.dma_semaphore, #tpu.memory_space<semaphore_mem>>
      %dma_start3A_32 = tpu.memref_slice %arg2[%mul3A_2] : memref<16384xi32, #tpu.memory_space<hbm>> -> memref<512xi32, #tpu.memory_space<hbm>>
      %dma_start3A_33 = tpu.memref_slice %arg2[%mul3A_2] : memref<16384xi32, #tpu.memory_space<hbm>> -> memref<512xi32, #tpu.memory_space<hbm>>
      tpu.enqueue_dma source(%dma_start3A_33 : memref<512xi32, #tpu.memory_space<hbm>>) target(%arg6 : memref<512xi32, #tpu.memory_space<vmem>>) target_semaphore(%run_scoped3A : memref<!tpu.dma_semaphore, #tpu.memory_space<semaphore_mem>>)
      %dma_wait3A_34 = tpu.memref_slice %arg2[%mul3A_2] : memref<16384xi32, #tpu.memory_space<hbm>> -> memref<512xi32, #tpu.memory_space<hbm>>
      %dma_wait3A_35 = tpu.memref_slice %arg2[%mul3A_2] : memref<16384xi32, #tpu.memory_space<hbm>> -> memref<512xi32, #tpu.memory_space<hbm>>
      tpu.wait_dma2 semaphore(%run_scoped3A : memref<!tpu.dma_semaphore, #tpu.memory_space<semaphore_mem>>) src(%dma_wait3A_35 : memref<512xi32, #tpu.memory_space<hbm>>) dst(%arg6 : memref<512xi32, #tpu.memory_space<vmem>>)
      tpu.yield
    }) : () -> ()
    "tpu.region"() ({
      %run_scoped3A = tpu.sem_alloc : memref<!tpu.dma_semaphore, #tpu.memory_space<semaphore_mem>>
      %dma_start3A_32 = tpu.memref_slice %arg3[%mul3A_2] : memref<16384xi32, #tpu.memory_space<hbm>> -> memref<512xi32, #tpu.memory_space<hbm>>
      %dma_start3A_33 = tpu.memref_slice %arg3[%mul3A_2] : memref<16384xi32, #tpu.memory_space<hbm>> -> memref<512xi32, #tpu.memory_space<hbm>>
      tpu.enqueue_dma source(%dma_start3A_33 : memref<512xi32, #tpu.memory_space<hbm>>) target(%arg7 : memref<512xi32, #tpu.memory_space<vmem>>) target_semaphore(%run_scoped3A : memref<!tpu.dma_semaphore, #tpu.memory_space<semaphore_mem>>)
      %dma_wait3A_34 = tpu.memref_slice %arg3[%mul3A_2] : memref<16384xi32, #tpu.memory_space<hbm>> -> memref<512xi32, #tpu.memory_space<hbm>>
      %dma_wait3A_35 = tpu.memref_slice %arg3[%mul3A_2] : memref<16384xi32, #tpu.memory_space<hbm>> -> memref<512xi32, #tpu.memory_space<hbm>>
      tpu.wait_dma2 semaphore(%run_scoped3A : memref<!tpu.dma_semaphore, #tpu.memory_space<semaphore_mem>>) src(%dma_wait3A_35 : memref<512xi32, #tpu.memory_space<hbm>>) dst(%arg7 : memref<512xi32, #tpu.memory_space<vmem>>)
      tpu.yield
    }) : () -> ()
    %scan3A = arith.constant 0 : i32
    %scan3A_3 = arith.constant 0 : i32
    %scan3A_4 = arith.constant 32 : i32
    %scan3A_5 = arith.addi %scan3A_3, %scan3A_4 : i32
    %scan3A_6 = arith.constant 1 : i32
    scf.for %scan3A_32 = %scan3A_3 to %scan3A_5 step %scan3A_6  : i32 {
      %mul3A_33 = arith.constant 16 : i32
      %mul3A_34 = arith.muli %scan3A_32, %mul3A_33 : i32
      %get3A = arith.index_cast %mul3A_34 : i32 to index
      %get3A_35 = tpu.vector_load %arg6[%get3A] {strides = array<i32>} : memref<512xi32, #tpu.memory_space<vmem>>, vector<16xi32>,
      %add3A_36 = arith.constant 1000000 : i32
      %add3A_37 = vector.broadcast %add3A_36 : i32 to vector<16xi32>
      %add3A_38 = arith.addi %get3A_35, %add3A_37 : vector<16xi32>
      %swap3A = arith.index_cast %mul3A_34 : i32 to index
      %swap3A_39 = tpu.vector_load %arg8[%swap3A] {strides = array<i32>} : memref<512xi32, #tpu.memory_space<vmem>>, vector<16xi32>,
      tpu.vector_store %arg8[%swap3A], %add3A_38 {strides = array<i32>} : memref<512xi32, #tpu.memory_space<vmem>>, vector<16xi32>,
      %get3A_40 = arith.index_cast %mul3A_34 : i32 to index
      %get3A_41 = tpu.vector_load %arg7[%get3A_40] {strides = array<i32>} : memref<512xi32, #tpu.memory_space<vmem>>, vector<16xi32>,
      %add3A_42 = arith.constant 1000000 : i32
      %add3A_43 = vector.broadcast %add3A_42 : i32 to vector<16xi32>
      %add3A_44 = arith.addi %get3A_41, %add3A_43 : vector<16xi32>
      %swap3A_45 = arith.index_cast %mul3A_34 : i32 to index
      %swap3A_46 = tpu.vector_load %arg9[%swap3A_45] {strides = array<i32>} : memref<512xi32, #tpu.memory_space<vmem>>, vector<16xi32>,
      tpu.vector_store %arg9[%swap3A_45], %add3A_44 {strides = array<i32>} : memref<512xi32, #tpu.memory_space<vmem>>, vector<16xi32>,
    }
    %scan3A_7 = arith.constant 32 : i32
    %dma_start3A = arith.constant 0 : i32
    %dma_start3A_8 = tpu.memref_slice %arg4[%dma_start3A] : memref<2000000xf32, #tpu.memory_space<hbm>> -> memref<2000000xf32, #tpu.memory_space<hbm>>
    tpu.enqueue_indirect_dma source(%dma_start3A_8 : memref<2000000xf32, #tpu.memory_space<hbm>>) target(%arg10 : memref<512xf32, #tpu.memory_space<vmem>>) offsets(%arg6 : memref<512xi32, #tpu.memory_space<vmem>>) semaphore(%arg15 : memref<!tpu.dma_semaphore, #tpu.memory_space<semaphore_mem>>)
    %dma_start3A_9 = arith.constant 0 : i32
    %dma_start3A_10 = tpu.memref_slice %arg4[%dma_start3A_9] : memref<2000000xf32, #tpu.memory_space<hbm>> -> memref<2000000xf32, #tpu.memory_space<hbm>>
    tpu.enqueue_indirect_dma source(%dma_start3A_10 : memref<2000000xf32, #tpu.memory_space<hbm>>) target(%arg11 : memref<512xf32, #tpu.memory_space<vmem>>) offsets(%arg8 : memref<512xi32, #tpu.memory_space<vmem>>) semaphore(%arg16 : memref<!tpu.dma_semaphore, #tpu.memory_space<semaphore_mem>>)
    %dma_start3A_11 = arith.constant 0 : i32
    %dma_start3A_12 = tpu.memref_slice %arg4[%dma_start3A_11] : memref<2000000xf32, #tpu.memory_space<hbm>> -> memref<2000000xf32, #tpu.memory_space<hbm>>
    tpu.enqueue_indirect_dma source(%dma_start3A_12 : memref<2000000xf32, #tpu.memory_space<hbm>>) target(%arg12 : memref<512xf32, #tpu.memory_space<vmem>>) offsets(%arg7 : memref<512xi32, #tpu.memory_space<vmem>>) semaphore(%arg17 : memref<!tpu.dma_semaphore, #tpu.memory_space<semaphore_mem>>)
    %dma_start3A_13 = arith.constant 0 : i32
    %dma_start3A_14 = tpu.memref_slice %arg4[%dma_start3A_13] : memref<2000000xf32, #tpu.memory_space<hbm>> -> memref<2000000xf32, #tpu.memory_space<hbm>>
    tpu.enqueue_indirect_dma source(%dma_start3A_14 : memref<2000000xf32, #tpu.memory_space<hbm>>) target(%arg13 : memref<512xf32, #tpu.memory_space<vmem>>) offsets(%arg9 : memref<512xi32, #tpu.memory_space<vmem>>) semaphore(%arg18 : memref<!tpu.dma_semaphore, #tpu.memory_space<semaphore_mem>>)
    %dma_wait3A = arith.constant 0 : i32
    %dma_wait3A_15 = tpu.memref_slice %arg4[%dma_wait3A] : memref<2000000xf32, #tpu.memory_space<hbm>> -> memref<2000000xf32, #tpu.memory_space<hbm>>
    tpu.wait_indirect_dma semaphore(%arg15 : memref<!tpu.dma_semaphore, #tpu.memory_space<semaphore_mem>>) src(%dma_wait3A_15 : memref<2000000xf32, #tpu.memory_space<hbm>>) dst(%arg10 : memref<512xf32, #tpu.memory_space<vmem>>)
    %dma_wait3A_16 = arith.constant 0 : i32
    %dma_wait3A_17 = tpu.memref_slice %arg4[%dma_wait3A_16] : memref<2000000xf32, #tpu.memory_space<hbm>> -> memref<2000000xf32, #tpu.memory_space<hbm>>
    tpu.wait_indirect_dma semaphore(%arg16 : memref<!tpu.dma_semaphore, #tpu.memory_space<semaphore_mem>>) src(%dma_wait3A_17 : memref<2000000xf32, #tpu.memory_space<hbm>>) dst(%arg11 : memref<512xf32, #tpu.memory_space<vmem>>)
    %dma_wait3A_18 = arith.constant 0 : i32
    %dma_wait3A_19 = tpu.memref_slice %arg4[%dma_wait3A_18] : memref<2000000xf32, #tpu.memory_space<hbm>> -> memref<2000000xf32, #tpu.memory_space<hbm>>
    tpu.wait_indirect_dma semaphore(%arg17 : memref<!tpu.dma_semaphore, #tpu.memory_space<semaphore_mem>>) src(%dma_wait3A_19 : memref<2000000xf32, #tpu.memory_space<hbm>>) dst(%arg12 : memref<512xf32, #tpu.memory_space<vmem>>)
    %dma_wait3A_20 = arith.constant 0 : i32
    %dma_wait3A_21 = tpu.memref_slice %arg4[%dma_wait3A_20] : memref<2000000xf32, #tpu.memory_space<hbm>> -> memref<2000000xf32, #tpu.memory_space<hbm>>
    tpu.wait_indirect_dma semaphore(%arg18 : memref<!tpu.dma_semaphore, #tpu.memory_space<semaphore_mem>>) src(%dma_wait3A_21 : memref<2000000xf32, #tpu.memory_space<hbm>>) dst(%arg13 : memref<512xf32, #tpu.memory_space<vmem>>)
    %iota3A = tpu.iota {dimensions = array<i32: 0>} : vector<16xi32>
    %broadcast_in_dim3A = arith.constant 0 : i32
    %broadcast_in_dim3A_22 = vector.broadcast %broadcast_in_dim3A : i32 to vector<16xi32>
    %add3A_23 = arith.constant 1 : i32
    %add3A_24 = vector.broadcast %add3A_23 : i32 to vector<16xi32>
    %add3A_25 = arith.addi %broadcast_in_dim3A_22, %add3A_24 : vector<16xi32>
    %scan3A_26 = arith.constant 0 : i32
    %scan3A_27 = arith.constant 0 : i32
    %scan3A_28 = arith.constant 32 : i32
    %scan3A_29 = arith.addi %scan3A_27, %scan3A_28 : i32
    %scan3A_30 = arith.constant 1 : i32
    scf.for %scan3A_32 = %scan3A_27 to %scan3A_29 step %scan3A_30  : i32 {
      %mul3A_33 = arith.constant 16 : i32
      %mul3A_34 = arith.muli %scan3A_32, %mul3A_33 : i32
      %mul3A_35 = arith.constant 16 : i32
      %mul3A_36 = arith.muli %scan3A_32, %mul3A_35 : i32
      %add3A_37 = vector.broadcast %mul3A_36 : i32 to vector<16xi32>
      %add3A_38 = arith.addi %add3A_37, %iota3A : vector<16xi32>
      %get3A = arith.index_cast %mul3A_34 : i32 to index
      %get3A_39 = tpu.vector_load %arg10[%get3A] {strides = array<i32>} : memref<512xf32, #tpu.memory_space<vmem>>, vector<16xf32>,
      %mul3A_40 = arith.constant 2.000000e+00 : f32
      %mul3A_41 = vector.broadcast %mul3A_40 : f32 to vector<16xf32>
      %mul3A_42 = arith.mulf %mul3A_41, %get3A_39 : vector<16xf32>
      %exp3A = math.exp %mul3A_42 : vector<16xf32>
      %add3A_43 = arith.constant 1.000000e+00 : f32
      %add3A_44 = vector.broadcast %add3A_43 : f32 to vector<16xf32>
      %add3A_45 = arith.addf %exp3A, %add3A_44 : vector<16xf32>
      %div3A = arith.constant 2.000000e+00 : f32
      %div3A_46 = vector.broadcast %div3A : f32 to vector<16xf32>
      %div3A_47 = arith.divf %div3A_46, %add3A_45 : vector<16xf32>
      %sub3A = arith.constant 1.000000e+00 : f32
      %sub3A_48 = vector.broadcast %sub3A : f32 to vector<16xf32>
      %sub3A_49 = arith.subf %sub3A_48, %div3A_47 : vector<16xf32>
      %exp3A_50 = math.exp %sub3A_49 : vector<16xf32>
      %get3A_51 = arith.index_cast %mul3A_34 : i32 to index
      %get3A_52 = tpu.vector_load %arg11[%get3A_51] {strides = array<i32>} : memref<512xf32, #tpu.memory_space<vmem>>, vector<16xf32>,
      %mul3A_53 = arith.constant 2.000000e+00 : f32
      %mul3A_54 = vector.broadcast %mul3A_53 : f32 to vector<16xf32>
      %mul3A_55 = arith.mulf %mul3A_54, %get3A_52 : vector<16xf32>
      %exp3A_56 = math.exp %mul3A_55 : vector<16xf32>
      %add3A_57 = arith.constant 1.000000e+00 : f32
      %add3A_58 = vector.broadcast %add3A_57 : f32 to vector<16xf32>
      %add3A_59 = arith.addf %exp3A_56, %add3A_58 : vector<16xf32>
      %div3A_60 = arith.constant 2.000000e+00 : f32
      %div3A_61 = vector.broadcast %div3A_60 : f32 to vector<16xf32>
      %div3A_62 = arith.divf %div3A_61, %add3A_59 : vector<16xf32>
      %sub3A_63 = arith.constant 1.000000e+00 : f32
      %sub3A_64 = vector.broadcast %sub3A_63 : f32 to vector<16xf32>
      %sub3A_65 = arith.subf %sub3A_64, %div3A_62 : vector<16xf32>
      %exp3A_66 = math.exp %sub3A_65 : vector<16xf32>
      %get3A_67 = arith.index_cast %mul3A_34 : i32 to index
      %get3A_68 = tpu.vector_load %arg12[%get3A_67] {strides = array<i32>} : memref<512xf32, #tpu.memory_space<vmem>>, vector<16xf32>,
      %mul3A_69 = arith.constant 2.000000e+00 : f32
      %mul3A_70 = vector.broadcast %mul3A_69 : f32 to vector<16xf32>
      %mul3A_71 = arith.mulf %mul3A_70, %get3A_68 : vector<16xf32>
      %exp3A_72 = math.exp %mul3A_71 : vector<16xf32>
      %add3A_73 = arith.constant 1.000000e+00 : f32
      %add3A_74 = vector.broadcast %add3A_73 : f32 to vector<16xf32>
      %add3A_75 = arith.addf %exp3A_72, %add3A_74 : vector<16xf32>
      %div3A_76 = arith.constant 2.000000e+00 : f32
      %div3A_77 = vector.broadcast %div3A_76 : f32 to vector<16xf32>
      %div3A_78 = arith.divf %div3A_77, %add3A_75 : vector<16xf32>
      %sub3A_79 = arith.constant 1.000000e+00 : f32
      %sub3A_80 = vector.broadcast %sub3A_79 : f32 to vector<16xf32>
      %sub3A_81 = arith.subf %sub3A_80, %div3A_78 : vector<16xf32>
      %exp3A_82 = math.exp %sub3A_81 : vector<16xf32>
      %get3A_83 = arith.index_cast %mul3A_34 : i32 to index
      %get3A_84 = tpu.vector_load %arg13[%get3A_83] {strides = array<i32>} : memref<512xf32, #tpu.memory_space<vmem>>, vector<16xf32>,
      %mul3A_85 = arith.constant 2.000000e+00 : f32
      %mul3A_86 = vector.broadcast %mul3A_85 : f32 to vector<16xf32>
      %mul3A_87 = arith.mulf %mul3A_86, %get3A_84 : vector<16xf32>
      %exp3A_88 = math.exp %mul3A_87 : vector<16xf32>
      %add3A_89 = arith.constant 1.000000e+00 : f32
      %add3A_90 = vector.broadcast %add3A_89 : f32 to vector<16xf32>
      %add3A_91 = arith.addf %exp3A_88, %add3A_90 : vector<16xf32>
      %div3A_92 = arith.constant 2.000000e+00 : f32
      %div3A_93 = vector.broadcast %div3A_92 : f32 to vector<16xf32>
      %div3A_94 = arith.divf %div3A_93, %add3A_91 : vector<16xf32>
      %sub3A_95 = arith.constant 1.000000e+00 : f32
      %sub3A_96 = vector.broadcast %sub3A_95 : f32 to vector<16xf32>
      %sub3A_97 = arith.subf %sub3A_96, %div3A_94 : vector<16xf32>
      %exp3A_98 = math.exp %sub3A_97 : vector<16xf32>
      %add3A_99 = arith.addf %exp3A_50, %exp3A_66 : vector<16xf32>
      %add3A_100 = arith.addf %exp3A_82, %exp3A_98 : vector<16xf32>
      %add3A_101 = arith.addf %add3A_99, %add3A_100 : vector<16xf32>
      %div3A_102 = arith.constant 1.000000e+00 : f32
      %div3A_103 = vector.broadcast %div3A_102 : f32 to vector<16xf32>
      %div3A_104 = arith.divf %div3A_103, %add3A_101 : vector<16xf32>
      %mul3A_105 = arith.mulf %exp3A_50, %div3A_104 : vector<16xf32>
      tpu.vector_store_idx %arg14[%add3A_38, %broadcast_in_dim3A_22], %mul3A_105 : memref<512x8xf32, #tpu.memory_space<vmem>>[vector<16xi32>, vector<16xi32>], vector<16xf32>,
      %mul3A_106 = arith.mulf %exp3A_66, %div3A_104 : vector<16xf32>
      tpu.vector_store_idx %arg14[%add3A_38, %add3A_25], %mul3A_106 : memref<512x8xf32, #tpu.memory_space<vmem>>[vector<16xi32>, vector<16xi32>], vector<16xf32>,
      %add3A_107 = arith.constant 2 : i32
      %add3A_108 = vector.broadcast %add3A_107 : i32 to vector<16xi32>
      %add3A_109 = arith.addi %broadcast_in_dim3A_22, %add3A_108 : vector<16xi32>
      %mul3A_110 = arith.mulf %exp3A_82, %div3A_104 : vector<16xf32>
      tpu.vector_store_idx %arg14[%add3A_38, %add3A_109], %mul3A_110 : memref<512x8xf32, #tpu.memory_space<vmem>>[vector<16xi32>, vector<16xi32>], vector<16xf32>,
      %add3A_111 = arith.constant 3 : i32
      %add3A_112 = vector.broadcast %add3A_111 : i32 to vector<16xi32>
      %add3A_113 = arith.addi %broadcast_in_dim3A_22, %add3A_112 : vector<16xi32>
      %mul3A_114 = arith.mulf %exp3A_98, %div3A_104 : vector<16xf32>
      tpu.vector_store_idx %arg14[%add3A_38, %add3A_113], %mul3A_114 : memref<512x8xf32, #tpu.memory_space<vmem>>[vector<16xi32>, vector<16xi32>], vector<16xf32>,
    }
    %scan3A_31 = arith.constant 32 : i32
    "tpu.region"() ({
      %run_scoped3A = tpu.sem_alloc : memref<!tpu.dma_semaphore, #tpu.memory_space<semaphore_mem>>
      %dma_start3A_32 = arith.constant 0 : i32
      %dma_start3A_33 = tpu.memref_slice %arg5[%mul3A_2, %dma_start3A_32] : memref<16384x8xf32, #tpu.memory_space<hbm>> -> memref<512x8xf32, #tpu.memory_space<hbm>>
      %dma_start3A_34 = arith.constant 0 : i32
      %dma_start3A_35 = tpu.memref_slice %arg5[%mul3A_2, %dma_start3A_34] : memref<16384x8xf32, #tpu.memory_space<hbm>> -> memref<512x8xf32, #tpu.memory_space<hbm>>
      tpu.enqueue_dma source(%arg14 : memref<512x8xf32, #tpu.memory_space<vmem>>) target(%dma_start3A_35 : memref<512x8xf32, #tpu.memory_space<hbm>>) target_semaphore(%run_scoped3A : memref<!tpu.dma_semaphore, #tpu.memory_space<semaphore_mem>>)
      %dma_wait3A_36 = arith.constant 0 : i32
      %dma_wait3A_37 = tpu.memref_slice %arg5[%mul3A_2, %dma_wait3A_36] : memref<16384x8xf32, #tpu.memory_space<hbm>> -> memref<512x8xf32, #tpu.memory_space<hbm>>
      %dma_wait3A_38 = arith.constant 0 : i32
      %dma_wait3A_39 = tpu.memref_slice %arg5[%mul3A_2, %dma_wait3A_38] : memref<16384x8xf32, #tpu.memory_space<hbm>> -> memref<512x8xf32, #tpu.memory_space<hbm>>
      tpu.wait_dma2 semaphore(%run_scoped3A : memref<!tpu.dma_semaphore, #tpu.memory_space<semaphore_mem>>) src(%arg14 : memref<512x8xf32, #tpu.memory_space<vmem>>) dst(%dma_wait3A_39 : memref<512x8xf32, #tpu.memory_space<hbm>>)
      tpu.yield
    }) : () -> ()
    return
  }
}

</mosaic_0001>

<sc_bundles>
// kernel: kernel.3.cloned.1.call-start
scs
__scs_entry_jumppad:
0x0: {  	(pc) =	sbr.rel $0x88, $3  }
0x1: {  	(tag) =	ssettag $0x0;
	lr =	simm.s32 $0x1  }
0x2: {  	[smem:$0x3F9F] =	sst lr;
	_ =	strace $0xD0000000  }
0x3: {  	_ = 	snop  }
0x4: {  	_ = 	snop  }
0x5: {  	_ = 	snop  }
0x6: {  	_ = 	snop  }
0x7: {  	_ = 	snop  }
__scs_overlays_trampoline_lowered:
0x8: {  	[smem:$0x3FAE] =	sst s0  }
0x9: {  	[smem:$0x3FAF] =	sst s1  }
0xa: {  	[smem:$0x3FB0] =	sst s2  }
0xb: {  	[smem:$0x3FB1] =	sst s3  }
0xc: {  	[smem:$0x3FB2] =	sst s4  }
0xd: {  	[smem:$0x3FB3] =	sst s5  }
0xe: {  	[smem:$0x3FB4] =	sst s6  }
0xf: {  	[smem:$0x3FB5] =	sst s7  }
0x10: {  	[smem:$0x3FB6] =	sst s8  }
0x11: {  	[smem:$0x3FB7] =	sst s9;
	s0 =	simm.s32 @!p0 $0x0  }
0x12: {  	s1 =	sld [smem:$0x3F9D];
	s0 =	simm.s32 @p0 $0x1  }
0x13: {  	[smem:$0x3FB8] =	sst s0;
	s0 =	simm.s32 @!p1 $0x0  }
0x14: {  	s2 =	sld [smem:$0x3F9C];
	s0 =	simm.s32 @p1 $0x1  }
0x15: {  	[smem:$0x3FB9] =	sst s0;
	s0 =	simm.s32 @!p2 $0x0  }
0x16: {  	s3 =	sld [smem:$0x3FDB];
	s0 =	simm.s32 @p2 $0x1  }
0x17: {  	s4 =	simm.s32 $0x1BF5;
	[smem:$0x3FBB] =	sst s0  }
0x18: {  	s0 =	sld [smem:$0x3F9E];
	_ =	swait.ge [sflag:s4], $0x0  }
0x19: {  	s7 =	sld [smem:$0x3F9F]  }
0x1a: {  	s8 =	sadd.s32 $0xFFFFE003, lr  }
0x1b: {  	s9 =	sadd.s32 $0xFFFFFEF7, lr;
	s5 =	simm.s32 $0xFFFFFFFF;
	p2 =	slt.u32 s8, $0xFFFFF086  }
0x1c: {  	p1 =	slt.u32 s9, $0xF7A;
	s5 =	simm.s32 @!p2 $0x0  }
0x1d: {  	s5 =	simm.s32 @p1 $0x1;
	p0 =	seq.s32 s7, s2  }
0x1e: {  	s7 =	smul.u32 @!p0 $0xF7A, s2;
	p2 =	seq.s32 @!p0 s5, $0x0  }
0x1f: {  	s9 =	smul.u32 $0xF7A, s1;
	s8 =	simm.s32 @!p0 $0x1BF5;
	p2 =	por !p2, p0  }
0x20: {  	[sflag:s8] =	ssyncset.s32 @!p0 $0xFFFFF086;
	s6 =	sadd.s32 @!p0 s3, s7;
	s7 =	simm.s32 @!p0 $0x108  }
0x21: {  	s3 =	sadd.s32 s3, s9;
	s6 =	sadd.s32 @!p0 $0x88, s6;
	s7 =	simm.s32 @p2 $0x1082  }
0x22: {  	[simem:s7], [sflag:s8] =	dma.local @!p0 [hbm:s6], $0xF7A  }
0x23: {  	s9 =	sor.u32 $0xD0000000, s2;
	s6 =	simm.s32 $0x108;
	_ =	swait.ge @!p0 [sflag:s8], $0x0  }
0x24: {  	s3 =	sadd.s32 $0x88, s3;
	s6 =	simm.s32 @!p1 $0x1082;
	[sflag:s4] =	ssyncset.s32 $0xFFFFF086  }
0x25: {  	[simem:s6], [sflag:s4] =	dma.local [hbm:s3], $0xF7A  }
0x26: {  	[smem:$0x3F9F] =	sst s1;
	(tag) =	ssettag s2;
	_ =	strace s9  }
0x27: {  	s1 =	sld [smem:$0x3FAF]  }
0x28: {  	s2 =	sld [smem:$0x3FB0]  }
0x29: {  	s4 =	sld [smem:$0x3FB2]  }
0x2a: {  	p0 =	seq.s32 s5, $0x0;
	s5 =	sld [smem:$0x3FB3]  }
0x2b: {  	s6 =	sld [smem:$0x3FB4]  }
0x2c: {  	s7 =	sld [smem:$0x3FB5]  }
0x2d: {  	s3 =	simm.s32 $0x108;
	s8 =	sld [smem:$0x3FB6]  }
0x2e: {  	s3 =	simm.s32 @!p0 $0x1082;
	s9 =	sld [smem:$0x3FB7]  }
0x2f: {  	lr =	sadd.s32 s0, s3;
	s0 =	sld [smem:$0x3FAE]  }
0x30: {  	s3 =	sld [smem:$0x3FB1]  }
0x31: {  	[smem:$0x3FBA] =	sst s10  }
0x32: {  	s10 =	sld [smem:$0x3FB8];
	_ =	sdelay $0x3  }
0x33: {  	p0 =	seq.s32 s10, $0x1;
	s10 =	sld [smem:$0x3FBA];
	_ =	sdelay $0x3  }
0x34: {  	[smem:$0x3FBA] =	sst s10  }
0x35: {  	s10 =	sld [smem:$0x3FB9];
	_ =	sdelay $0x3  }
0x36: {  	p1 =	seq.s32 s10, $0x1;
	s10 =	sld [smem:$0x3FBA];
	_ =	sdelay $0x3  }
0x37: {  	[smem:$0x3FBA] =	sst s10  }
0x38: {  	s10 =	sld [smem:$0x3FBB]  }
0x39: {  	_ = 	snop;
	(pc) =	sbr.ind lr, $3  }
0x3a: {  	_ = 	snop  }
0x3b: {  	_ = 	snop  }
0x3c: {  	p2 =	seq.s32 s10, $0x1;
	s10 =	sld [smem:$0x3FBA]  }
0x3d: {  	_ =	shalt  }
0x3e: {  	_ =	shalt  }
0x3f: {  	_ =	shalt  }
0x40: {  	_ =	shalt  }
0x41: {  	_ =	shalt  }
0x42: {  	_ =	shalt  }
0x43: {  	_ =	shalt  }
0x44: {  	_ =	shalt  }
0x45: {  	_ =	shalt  }
0x46: {  	_ =	shalt  }
0x47: {  	_ =	shalt  }
0x48: {  	_ =	shalt  }
0x49: {  	_ =	shalt  }
0x4a: {  	_ =	shalt  }
0x4b: {  	_ =	shalt  }
0x4c: {  	_ =	shalt  }
0x4d: {  	_ =	shalt  }
0x4e: {  	_ =	shalt  }
0x4f: {  	_ =	shalt  }
0x50: {  	_ =	shalt  }
0x51: {  	_ =	shalt  }
0x52: {  	_ =	shalt  }
0x53: {  	_ =	shalt  }
0x54: {  	_ =	shalt  }
0x55: {  	_ =	shalt  }
0x56: {  	_ =	shalt  }
0x57: {  	_ =	shalt  }
0x58: {  	_ =	shalt  }
0x59: {  	_ =	shalt  }
0x5a: {  	_ =	shalt  }
0x5b: {  	_ =	shalt  }
0x5c: {  	_ =	shalt  }
0x5d: {  	_ =	shalt  }
0x5e: {  	_ =	shalt  }
0x5f: {  	_ =	shalt  }
0x60: {  	_ =	shalt  }
0x61: {  	_ =	shalt  }
0x62: {  	_ =	shalt  }
0x63: {  	_ =	shalt  }
0x64: {  	_ =	shalt  }
0x65: {  	_ =	shalt  }
0x66: {  	_ =	shalt  }
0x67: {  	_ =	shalt  }
0x68: {  	_ =	shalt  }
0x69: {  	_ =	shalt  }
0x6a: {  	_ =	shalt  }
0x6b: {  	_ =	shalt  }
0x6c: {  	_ =	shalt  }
0x6d: {  	_ =	shalt  }
0x6e: {  	_ =	shalt  }
0x6f: {  	_ =	shalt  }
0x70: {  	_ =	shalt  }
0x71: {  	_ =	shalt  }
0x72: {  	_ =	shalt  }
0x73: {  	_ =	shalt  }
0x74: {  	_ =	shalt  }
0x75: {  	_ =	shalt  }
0x76: {  	_ =	shalt  }
0x77: {  	_ =	shalt  }
0x78: {  	_ =	shalt  }
0x79: {  	_ =	shalt  }
0x7a: {  	_ =	shalt  }
0x7b: {  	_ =	shalt  }
0x7c: {  	_ =	shalt  }
0x7d: {  	_ =	shalt  }
0x7e: {  	_ =	shalt  }
0x7f: {  	_ =	shalt  }
0x80: {  	_ =	shalt  }
0x81: {  	_ =	shalt  }
0x82: {  	_ =	shalt  }
0x83: {  	_ =	shalt  }
0x84: {  	_ =	shalt  }
0x85: {  	_ =	shalt  }
0x86: {  	_ =	shalt  }
0x87: {  	_ =	shalt  }
.Lfunc_end0:
.L_simem_size_0:
called_computation_lowered:
.L_overlay_start_0:
0x88: {  	s2 =	sld [smem:$0x3FD9]  }
0x89: {  	s3 =	sld [smem:$0x3FFE];
	_ =	sdelay $0x1  }
0x8a: {  	s1 =	srdreg.scid  }
0x8b: {  	s0 =	sand.u32 $0x1, s1  }
0x8c: {  	s17 =	sshll.u32 s0, $0xA;
	s2 =	sadd.s32 s3, s2  }
0x8d: {  	s2 =	sadd.s32 s2, s17  }
0x8e: {  	[smem:$0x3FC6] =	sst s2  }
0x8f: {  	_ = 	snop  }
0x90: {  	s2 =	sld [smem:$0x3FD0];
	(tm) =	ssettm $0x1  }
0x91: {  	s18 =	sld [smem:$0x3FFB];
	_ =	sdelay $0x3  }
0x92: {  	_ =	strace s18  }
0x93: {  	s3 =	sld [smem:$0x3FFC];
	_ =	sdelay $0x3  }
0x94: {  	_ =	strace s3  }
0x95: {  	s3 =	sld [smem:$0x3FFD];
	_ =	sdelay $0x3  }
0x96: {  	_ =	strace s3  }
0x97: {  	_ =	strace $0x8FFFFFFF  }
0x98: {  	s19 =	sld [smem:$0x3FDB];
	_ =	sdelay $0x1  }
0x99: {  	s4 =	simm.s32 $_scs_section_size  }
0x9a: {  	s5 =	simm.s32 $_size__tile_overlayer_lowered;
	s6 =	simm.s32 $_tile_overlayer_lowered  }
0x9b: {  	s22 =	simm.s32 $0x1BFF;
	s21 =	sshll.u32 s6, $0x1;
	s3 =	sadd.s32 s4, s19  }
0x9c: {  	s7 =	simm.s32 $0x0;
	s20 =	sshll.u32 s5, $0x1;
	s5 =	sadd.s32 s21, s3  }
0x9d: {  	[timem:s7], [sflag:s22] =	dma.local [hbm:s5], s20  }
0x9e: {  	_ =	swait.ge [sflag:s22], s20  }
0x9f: {  	s4 =	ssub.s32 $0x0, s20;
	[sflag:s22] =	ssyncset.done $0x0  }
0xa0: {  	[sflag:s22] =	ssyncadd.s32 s4;
	_ =	sdelay $0x1  }
0xa1: {  	s23 =	simm.s32 $0x1B8B  }
0xa2: {  	_ =	swait.ge [sflag:s23], $0x1  }
0xa3: {  	[sflag:s23] =	ssyncset.done $0x0  }
0xa4: {  	s25 =	simm.s32 $0x1B8E;
	s24 =	sld [smem:$0x3FFE];
	[sflag:s23] =	ssyncadd.s32 $0xFFFFFFFF  }
0xa5: {  	s26 =	simm.s32 $execute0_lowered;
	[smem:$0x3FD2] =	sst s25  }
0xa6: {  	s5 =	sshll.u32 s26, $0x1;
	_ =	strace $0x80000046;
	[dreg:$0x1] =	wrdreg $0xFFFFFFFF  }
0xa7: {  	s28 =	simm.s32 $_size_execute0_lowered;
	s3 =	sadd.s32 s3, s5;
	[dreg:$0x0] =	wrdreg $0x0  }
0xa8: {  	s5 =	sshll.u32 s28, $0x1;
	[dreg:$0x2] =	wrdreg s3  }
0xa9: {  	[dreg:$0x3] =	wrdreg s5  }
0xaa: {  	[dreg:$0x4] =	wrdreg $0xC0  }
0xab: {  	_ =	task [dreg:s7], $0x5FFFF  }
0xac: {  	[dreg:$0x1] =	wrdreg $0xFFFFFFFF  }
0xad: {  	[dreg:$0x0] =	wrdreg $0x60  }
0xae: {  	[dreg:$0x2] =	wrdreg s24  }
0xaf: {  	[dreg:$0x3] =	wrdreg s2  }
0xb0: {  	[dreg:$0x4] =	wrdreg $0x9  }
0xb1: {  	_ =	task.clear_ibuf [dreg:s7], $0x5FFFF;
	_ =	strace $0x90000046  }
0xb2: {  	s29 =	simm.s32 $0x9;
	_ =	strace $0x80000048  }
0xb3: {  	_ =	swait.ge [sflag:s29], $0x1  }
0xb4: {  	[sflag:s29] =	ssyncadd.s32 $0xFFFFFFFF  }
0xb5: {  	_ =	strace $0x90000048  }
0xb6: {  	_ =	sfence  }
0xb7: {  	s30 =	sld [smem:$0x0];
	_ =	sdelay $0x2  }
0xb8: {  	s31 =	sshll.u32 s1, $0xD;
	s1 =	sshrl.u32 s1, $0x2  }
0xb9: {  	s3 =	sand.u32 $0x4000, s31;
	s1 =	sadd.s32 s1, s30  }
0xba: {  	s0 =	sor.u32 s3, s0;
	s1 =	sshll.u32 s1, $0x11  }
0xbb: {  	s0 =	sor.u32 s1, s0  }
0xbc: {  	s0 =	sadd.s32 $0x8F2B, s0  }
0xbd: {  	[sflag:s0] =	ssyncadd.remote.s32 $0x1  }
0xbe: {  	_ =	sfence.sel $0xFFFF  }
0xbf: {  	[dreg:$0x0] =	wrdreg $0xFFFFFFFF;
	(pc) =	sbr.abs _section_cstart, $3  }
0xc0: {  	[dreg:$0x1] =	wrdreg $0xFFFFFFFF  }
0xc1: {  	_ =	task.clear_ibuf [dreg:s7], $0x2FFFF;
	_ =	strace $0x9FFFFFFF  }
0xc2: {  	(tm) =	ssettm $0x7FFFFFFF  }
0xc3: {  	_ =	shalt  }
tec
execute0_lowered:
.L_overlay_start_1:
0x0: {  	(tag) =	ssettag $0x1  }
0x1: {  	s1 =	srdreg.scid  }
0x2: {  	s4 =	rddreg [dreg:$0x0];
	s0 =	stileid.u32  }
0x3: {  	s5 =	rddreg [dreg:$0x1];
	s2 =	simm.s32 $0x0;
	s10 =	simm.s32 $0x400  }
0x4: {  	s11 =	simm.s32 $0x600;
	s12 =	simm.s32 $0x1;
	s13 =	simm.s32 $0x2  }
0x5: {  	s14 =	simm.s32 $0x3;
	s15 =	simm.s32 $0x4;
	s16 =	simm.s32 $0x1000  }
0x6: {  	s17 =	simm.s32 $0x0;
	s3 =	sand.u32 $0x1, s1;
	s1 =	rddreg [dreg:$0x2]  }
0x7: {  	s6 =	sshll.u32 s0, $0xA;
	[smem:$0x7FF] =	sst s2;
	s7 =	sshll.u32 s3, $0x9  }
0x8: {  	_ =	strace $0x80000047;
	s9 =	ssub.s32 $0x2, s3;
	s6 =	sor.u32 s7, s6  }
0x9: {  	s3 =	sadd.s32 $0xE00, s4;
	s31 =	sshrl.u32 s9, $0x1;
	s7 =	sshrl.u32 s6, $0x3  }
0xa: {  	s6 =	sadd.s32 s6, s4;
	s9 =	ssub.s32 s9, s31;
	s8 =	sadd.s32 s7, s4  }
0xb: {  	v0 =	vlaneseq.u32;
	s5 =	sadd.s32 s5, s7;
	s6 =	sadd.s32 $0x3E000, s6;
	s7 =	smax.u32 s9, $0x1  }
0xc: {  	v0 =	vmul.u32 $0x8, v0;
	s9 =	simm.s32 $0x200;
	s4 =	sadd.s32 $0x600, s8;
	s8 =	simm.s32 $0x5  }
.LBB2_1:
0xd: {  	[tilespmem:s2], [sflag:$0x5] =	stream.linear.gather [hbm4b:s4+s2], $0x200, $0x38;
	[tilespmem:$0x2000] =	vst v63  }
0xe: {  	_ =	swait.ge [sflag:s8], $0x200  }
0xf: {  	[sflag:s8] =	ssyncset.done $0x0  }
0x10: {  	[sflag:s8] =	ssyncadd.s32 $0xFFFFFE00  }
0x11: {  	[tilespmem:s9], [sflag:$0x5] =	stream.linear.gather [hbm4b:s5+s2], $0x200, $0x38;
	[tilespmem:$0x2000] =	vst v63  }
0x12: {  	_ =	swait.ge [sflag:s8], $0x200  }
0x13: {  	[sflag:s8] =	ssyncset.done $0x0  }
0x14: {  	s18 =	simm.s32 $0x0;
	[sflag:s8] =	ssyncadd.s32 $0xFFFFFE00  }
0x15: {  	v1 =	vld [tilespmem:s18+$0x200]  }
0x16: {  	s19 =	simm.s32 $0x40;
	v2 =	vld [tilespmem:s18+$0x0]  }
.LBB2_2:
0x17: {  	p0 =	sne.s32 s19, $0x7C0  }
.Ltmp0:
0x18: {  	_ = 	snop;
	(pc) =	sbr.rel @p0 .LBB2_2-.Ltmp0, $4  }
0x19: {  	_ = 	snop  }
0x1a: {  	s20 =	sshra.s32 s19, $0x2;
	s19 =	sadd.s32 $0x40, s19;
	v3 =	vadd.s32 $0xF4240, v1  }
0x1b: {  	v1 =	vld [tilespmem:s20+$0x200];
	v4 =	vadd.s32 $0xF4240, v2;
	[tilespmem:s18+$0x600] =	vst v3  }
0x1c: {  	v2 =	vld [tilespmem:s20+$0x0];
	[tilespmem:s18+$0x400] =	vst v4;
	s18 =	smov.u32 s20  }
0x1d: {  	_ =	sdelay $0x2  }
0x1e: {  	v1 =	vadd.s32 $0xF4240, v1  }
0x1f: {  	v2 =	vadd.s32 $0xF4240, v2;
	[tilespmem:s18+$0x600] =	vst v1  }
0x20: {  	s21 =	simm.s32 $0x0;
	[tilespmem:s18+$0x400] =	vst v2;
	s18 =	simm.s32 $0x800  }
0x21: {  	[tilespmem:s18], [sflag:$0x1] =	stream.indirect.gather [hbm4b:s3+s9], $0x1, s21, s9, $0xb8;
	[tilespmem:$0x2000] =	vst v63  }
0x22: {  	s19 =	simm.s32 $0xA00  }
0x23: {  	[tilespmem:s19], [sflag:$0x2] =	stream.indirect.gather [hbm4b:s3+s9], $0x1, s10, s9, $0xb8;
	[tilespmem:$0x2000] =	vst v63  }
0x24: {  	s20 =	simm.s32 $0xC00  }
0x25: {  	[tilespmem:s20], [sflag:$0x3] =	stream.indirect.gather [hbm4b:s3+s9], $0x1, s9, s9, $0xb8;
	[tilespmem:$0x2000] =	vst v63  }
0x26: {  	s22 =	simm.s32 $0xE00  }
0x27: {  	[tilespmem:s22], [sflag:$0x4] =	stream.indirect.gather [hbm4b:s3+s9], $0x1, s11, s9, $0xb8;
	[tilespmem:$0x2000] =	vst v63  }
0x28: {  	_ =	swait.ge [sflag:s12], $0x200  }
0x29: {  	[sflag:s12] =	ssyncset.done $0x0  }
0x2a: {  	[sflag:s12] =	ssyncadd.s32 $0xFFFFFE00  }
0x2b: {  	_ =	swait.ge [sflag:s13], $0x200  }
0x2c: {  	[sflag:s13] =	ssyncset.done $0x0  }
0x2d: {  	[sflag:s13] =	ssyncadd.s32 $0xFFFFFE00  }
0x2e: {  	_ =	swait.ge [sflag:s14], $0x200  }
0x2f: {  	[sflag:s14] =	ssyncset.done $0x0  }
0x30: {  	[sflag:s14] =	ssyncadd.s32 $0xFFFFFE00  }
0x31: {  	_ =	swait.ge [sflag:s15], $0x200  }
0x32: {  	[sflag:s15] =	ssyncset.done $0x0  }
0x33: {  	[sflag:s15] =	ssyncadd.s32 $0xFFFFFE00  }
0x34: {  	v1 =	vld [tilespmem:s19+$0x0]  }
0x35: {  	v2 =	vld [tilespmem:s20+$0x0]  }
0x36: {  	v3 =	vld [tilespmem:s22+$0x0]  }
0x37: {  	v4 =	vld [tilespmem:s18+$0x0];
	_ =	sdelay $0x1  }
0x38: {  	v1 =	vadd.f32 v1, v1  }
0x39: {  	v2 =	vadd.f32 v2, v2  }
0x3a: {  	v3 =	vadd.f32 v3, v3;
	v1 =	vmul.f32 $1.442695020e+00, v1  }
0x3b: {  	v4 =	vadd.f32 v4, v4;
	v2 =	vmul.f32 $1.442695020e+00, v2  }
0x3c: {  	v3 =	vmul.f32 $1.442695020e+00, v3;
	(erf) = vpow2.f32 v1  }
0x3d: {  	v1 =	vmul.f32 $1.442695020e+00, v4;
	(erf) = vpow2.f32 v2  }
0x3e: {  	(erf) = vpow2.f32 v3  }
0x3f: {  	(erf) = vpow2.f32 v1;
	_ =	sdelay $0x5  }
0x40: {  	v1 =	vpop (erf)  }
0x41: {  	v1 =	vadd.f32 $1.000000000e+00, v1;
	v2 =	vpop (erf)  }
0x42: {  	v2 =	vadd.f32 $1.000000000e+00, v2;
	v3 =	vpop (erf)  }
0x43: {  	v3 =	vadd.f32 $1.000000000e+00, v3;
	v58 =	vpop (erf);
	(erf) = vrcp.f32 v1  }
0x44: {  	v1 =	vadd.f32 $1.000000000e+00, v58;
	(erf) = vrcp.f32 v2  }
0x45: {  	(erf) = vrcp.f32 v3  }
0x46: {  	(erf) = vrcp.f32 v1;
	_ =	sdelay $0x5  }
0x47: {  	v1 =	vpop (erf)  }
0x48: {  	v1 =	vadd.f32 v1, v1;
	v2 =	vpop (erf)  }
0x49: {  	v2 =	vadd.f32 v2, v2;
	v3 =	vpop (erf)  }
0x4a: {  	v1 =	vsub.f32 $1.000000000e+00, v1;
	v3 =	vadd.f32 v3, v3;
	v59 =	vpop (erf)  }
0x4b: {  	v4 =	vadd.f32 v59, v59;
	v2 =	vsub.f32 $1.000000000e+00, v2  }
0x4c: {  	v1 =	vmul.f32 $1.442695020e+00, v1;
	v3 =	vsub.f32 $1.000000000e+00, v3  }
0x4d: {  	v4 =	vsub.f32 $1.000000000e+00, v4;
	v2 =	vmul.f32 $1.442695020e+00, v2  }
0x4e: {  	v3 =	vmul.f32 $1.442695020e+00, v3;
	(erf) = vpow2.f32 v1  }
0x4f: {  	v1 =	vmul.f32 $1.442695020e+00, v4;
	(erf) = vpow2.f32 v2  }
0x50: {  	(erf) = vpow2.f32 v3  }
0x51: {  	(erf) = vpow2.f32 v1;
	_ =	sdelay $0x5  }
0x52: {  	v1 =	vpop (erf)  }
0x53: {  	v2 =	vpop (erf)  }
0x54: {  	v3 =	vpop (erf)  }
0x55: {  	v60 =	vpop (erf)  }
0x56: {  	v5 =	vadd.f32 v3, v2;
	v6 =	vadd.f32 v1, v60;
	_ =	sdelay $0x1  }
0x57: {  	v5 =	vadd.f32 v5, v6;
	_ =	sdelay $0x1  }
0x58: {  	(erf) = vrcp.f32 v5;
	_ =	sdelay $0x4  }
0x59: {  	v61 =	vmov s21  }
0x5a: {  	v5 =	vshll.u32 v61, $0x3  }
0x5b: {  	v5 =	vor.u32 v0, v5  }
0x5c: {  	v62 =	vor.u32 $0x1, v5  }
0x5d: {  	v7 =	vor.u32 $0x2, v5;
	v8 =	vpop (erf)  }
0x5e: {  	v4 =	vmul.f32 v8, v60;
	v63 =	vmul.f32 v8, v2;
	v2 =	vor.u32 $0x3, v5  }
0x5f: {  	v1 =	vmul.f32 v8, v1  }
0x60: {  	[tilespmem:v5+s16+$0x0] =	vst.idx.msk $0xffff, v4  }
0x61: {  	[tilespmem:v62+s16+$0x0] =	vst.idx.msk $0xffff, v1;
	v1 =	vmul.f32 v8, v3  }
0x62: {  	s21 =	simm.s32 $0x10;
	s22 =	simm.s32 $0xE10;
	[tilespmem:v7+s16+$0x0] =	vst.idx.msk $0xffff, v63  }
.LBB2_4:
0x63: {  	[tilespmem:v2+s16+$0x0] =	vst.idx.msk $0xffff, v1;
	s18 =	sadd.s32 $0x10, s18;
	s19 =	sadd.s32 $0x10, s19;
	s20 =	sadd.s32 $0x10, s20  }
0x64: {  	p0 =	sne.s32 s21, $0x1F0;
	s23 =	smov.u32 s21;
	s21 =	sadd.s32 $0x10, s21;
	v1 =	vld [tilespmem:s19+$0x0]  }
0x65: {  	v2 =	vld [tilespmem:s20+$0x0]  }
0x66: {  	v3 =	vld [tilespmem:s22+$0x0]  }
0x67: {  	v4 =	vld [tilespmem:s18+$0x0];
	_ =	sdelay $0x1  }
0x68: {  	v1 =	vadd.f32 v1, v1  }
0x69: {  	v2 =	vadd.f32 v2, v2  }
0x6a: {  	v1 =	vmul.f32 $1.442695020e+00, v1;
	v3 =	vadd.f32 v3, v3  }
0x6b: {  	v4 =	vadd.f32 v4, v4;
	v2 =	vmul.f32 $1.442695020e+00, v2  }
0x6c: {  	v3 =	vmul.f32 $1.442695020e+00, v3;
	(erf) = vpow2.f32 v1  }
0x6d: {  	v1 =	vmul.f32 $1.442695020e+00, v4;
	(erf) = vpow2.f32 v2  }
0x6e: {  	(erf) = vpow2.f32 v3  }
0x6f: {  	(erf) = vpow2.f32 v1;
	_ =	sdelay $0x5  }
0x70: {  	v1 =	vpop (erf)  }
0x71: {  	v1 =	vadd.f32 $1.000000000e+00, v1;
	v2 =	vpop (erf)  }
0x72: {  	v2 =	vadd.f32 $1.000000000e+00, v2;
	v3 =	vpop (erf)  }
0x73: {  	v3 =	vadd.f32 $1.000000000e+00, v3;
	v4 =	vpop (erf);
	(erf) = vrcp.f32 v1  }
0x74: {  	v1 =	vadd.f32 $1.000000000e+00, v4;
	(erf) = vrcp.f32 v2  }
0x75: {  	(erf) = vrcp.f32 v3  }
0x76: {  	(erf) = vrcp.f32 v1;
	_ =	sdelay $0x5  }
0x77: {  	v1 =	vpop (erf)  }
0x78: {  	v1 =	vadd.f32 v1, v1;
	v2 =	vpop (erf)  }
0x79: {  	v2 =	vadd.f32 v2, v2;
	v3 =	vpop (erf)  }
0x7a: {  	v1 =	vsub.f32 $1.000000000e+00, v1;
	v3 =	vadd.f32 v3, v3;
	v4 =	vpop (erf)  }
0x7b: {  	v4 =	vadd.f32 v4, v4;
	v2 =	vsub.f32 $1.000000000e+00, v2  }
0x7c: {  	v1 =	vmul.f32 $1.442695020e+00, v1;
	v3 =	vsub.f32 $1.000000000e+00, v3  }
0x7d: {  	v4 =	vsub.f32 $1.000000000e+00, v4;
	v2 =	vmul.f32 $1.442695020e+00, v2  }
0x7e: {  	v3 =	vmul.f32 $1.442695020e+00, v3;
	(erf) = vpow2.f32 v1  }
0x7f: {  	v1 =	vmul.f32 $1.442695020e+00, v4;
	(erf) = vpow2.f32 v2  }
0x80: {  	(erf) = vpow2.f32 v3  }
0x81: {  	(erf) = vpow2.f32 v1;
	_ =	sdelay $0x5  }
0x82: {  	v3 =	vpop (erf)  }
0x83: {  	v4 =	vpop (erf)  }
0x84: {  	v1 =	vpop (erf)  }
0x85: {  	v2 =	vadd.f32 v1, v4;
	v5 =	vpop (erf)  }
0x86: {  	v6 =	vadd.f32 v3, v5;
	_ =	sdelay $0x1  }
0x87: {  	v2 =	vadd.f32 v2, v6;
	_ =	sdelay $0x1  }
0x88: {  	(erf) = vrcp.f32 v2;
	_ =	sdelay $0x4  }
0x89: {  	v2 =	vmov s23  }
0x8a: {  	v2 =	vshll.u32 v2, $0x3  }
0x8b: {  	v6 =	vor.u32 v0, v2  }
0x8c: {  	v7 =	vor.u32 $0x1, v6  }
0x8d: {  	v8 =	vor.u32 $0x2, v6;
	v9 =	vpop (erf)  }
.Ltmp1:
0x8e: {  	v2 =	vor.u32 $0x3, v6;
	v5 =	vmul.f32 v9, v5;
	v1 =	vmul.f32 v9, v1;
	(pc) =	sbr.rel @p0 .LBB2_4-.Ltmp1, $4  }
0x8f: {  	v3 =	vmul.f32 v9, v3  }
0x90: {  	v4 =	vmul.f32 v9, v4;
	[tilespmem:v6+s16+$0x0] =	vst.idx.msk $0xffff, v5  }
0x91: {  	[tilespmem:v7+s16+$0x0] =	vst.idx.msk $0xffff, v3  }
0x92: {  	s22 =	sadd.s32 $0x10, s22;
	[tilespmem:v8+s16+$0x0] =	vst.idx.msk $0xffff, v4  }
0x93: {  	_ =	sdelay $0x1  }
0x94: {  	s17 =	sadd.s32 $0x1, s17  }
0x95: {  	p0 =	sne.s32 s17, s7  }
.Ltmp2:
0x96: {  	[tilespmem:v2+s16+$0x0] =	vst.idx.msk $0xffff, v1;
	(pc) =	sbr.rel @p0 .LBB2_1-.Ltmp2, $4  }
0x97: {  	[hbm4b:s6+s2] =	stream.linear.scatter [tilespmem:s16], [sflag:$0x5], $0x1000, $0x38;
	[tilespmem:$0x2000] =	vst v63  }
0x98: {  	_ =	swait.ge [sflag:s8], $0x1000  }
0x99: {  	[sflag:s8] =	ssyncset.done $0x0  }
0x9a: {  	[sflag:s8] =	ssyncadd.s32 $0xFFFFF000  }
0x9b: {  	_ =	sfence.sel $0x180000  }
0x9c: {  	[bflag:$0x0] =	sbarrier.arrive $0xFFFF  }
0x9d: {  	p0 =	sne.s32 s0, $0x0;
	_ =	strace $0x90000047  }
0x9e: {  	s0 =	sadd.s32 @!p0 $0x100000, s1;
	[bflag:$0x2] =	sbarrier.arrive $0xFFFF  }
0x9f: {  	[sflag:s0] =	ssyncadd.tile.s32 @!p0 $0x1;
	_ =	shalt  }
.Lfunc_end2:
_tile_overlayer_lowered:
.L_overlay_start_2:
0xa0: {  	(tag) =	ssettag $0x2  }
0xa1: {  	s0 =	rddreg [dreg:$0x0];
	s2 =	stileid.u32  }
0xa2: {  	s1 =	rddreg [dreg:$0x1];
	p0 =	sne.s32 s2, $0x0  }
0xa3: {  	s3 =	rddreg [dreg:$0x2];
	[bflag:$0x3] =	sbarrier.arrive $0xFFFF;
	s2 =	simm.s32 @!p0 $0x1C05  }
0xa4: {  	[timem:s3], [sflag:s2] =	dma.local @!p0 [hbm:s0], s1  }
0xa5: {  	s0 =	simm.s32 @!p0 $0x5  }
0xa6: {  	_ =	swait.ge @!p0 [sflag:s0], s1  }
0xa7: {  	s1 =	ssub.s32 @!p0 $0x0, s1;
	[sflag:s0] =	ssyncset.done @!p0 $0x0  }
0xa8: {  	[sflag:s0] =	ssyncadd.s32 @!p0 s1  }
0xa9: {  	[bflag:$0x3] =	sbarrier.arrive $0xFFFF  }
0xaa: {  	_ =	shalt  }

</sc_bundles>
